<compile_context>
chip_gen: v7x
topology: tpu7x:2x2x1
jax: 0.10.2.dev20260603
libtpu: 0.0.44.dev20260713+nightly
codegen_flags: <defaults>
</compile_context>

<pallas_src>
import functools

import jax
import jax.numpy as jnp
from jax.experimental import pallas as pl
from jax.experimental.pallas import tpu as pltpu

_ROW_TILE = 256


def _ffn_kernel(te_ref, na_ref, xs_ref, wg_ref, wu_ref, wd_ref, out_ref):
    t = pl.program_id(0)

    @pl.when(t < na_ref[0])
    def _active():
        xs = xs_ref[...]
        g = jax.lax.dot_general(xs, wg_ref[0], (((1,), (1,)), ((), ())),
                                preferred_element_type=jnp.float32)
        u = jax.lax.dot_general(xs, wu_ref[0], (((1,), (1,)), ((), ())),
                                preferred_element_type=jnp.float32)
        h = (g * jax.lax.logistic(g)) * u
        out_ref[...] = jax.lax.dot_general(h, wd_ref[0], (((1,), (1,)), ((), ())),
                                           preferred_element_type=jnp.float32)

    @pl.when(t >= na_ref[0])
    def _inactive():
        out_ref[...] = jnp.zeros_like(out_ref)


def kernel(x, expert_weights, expert_indices, top_k, Wg, Wu, Wd):
    n, h_dim = x.shape
    k = expert_indices.shape[1]
    e_num, i_dim, _ = Wg.shape
    s = n * k
    t_tile = _ROW_TILE
    nt = s // t_tile + (e_num - 1)
    p = nt * t_tile

    flat = expert_indices.reshape(-1).astype(jnp.int32)
    onehot = (flat[:, None] == jnp.arange(e_num, dtype=jnp.int32)[None, :]
              ).astype(jnp.int32)
    ranks_incl = jnp.cumsum(onehot, axis=0)
    rank = (ranks_incl * onehot).sum(axis=1) - 1
    counts = ranks_incl[-1]
    tiles_per_e = (counts + t_tile - 1) // t_tile
    tile_base = jnp.concatenate([jnp.zeros((1,), jnp.int32),
                                 jnp.cumsum(tiles_per_e)[:-1].astype(jnp.int32)])
    seg_base = tile_base * t_tile
    nact = jnp.sum(tiles_per_e).astype(jnp.int32)
    pos = seg_base[flat] + rank

    t_ids = jnp.arange(nt, dtype=jnp.int32)
    tile_expert = (t_ids[:, None] >= tile_base[None, :]).sum(axis=1).astype(jnp.int32) - 1

    row_src = jnp.zeros((p,), jnp.int32).at[pos].set(
        jnp.arange(s, dtype=jnp.int32) // k)
    xs = x[row_src]

    grid_spec = pltpu.PrefetchScalarGridSpec(
        num_scalar_prefetch=2,
        grid=(nt,),
        in_specs=[
            pl.BlockSpec((t_tile, h_dim), lambda t, te, na: (t, 0)),
            pl.BlockSpec((1, i_dim, h_dim), lambda t, te, na: (te[t], 0, 0)),
            pl.BlockSpec((1, i_dim, h_dim), lambda t, te, na: (te[t], 0, 0)),
            pl.BlockSpec((1, h_dim, i_dim), lambda t, te, na: (te[t], 0, 0)),
        ],
        out_specs=pl.BlockSpec((t_tile, h_dim), lambda t, te, na: (t, 0)),
    )
    out_s = pl.pallas_call(
        _ffn_kernel,
        grid_spec=grid_spec,
        out_shape=jax.ShapeDtypeStruct((p, h_dim), jnp.float32),
        compiler_params=pltpu.CompilerParams(
            vmem_limit_bytes=100 * 1024 * 1024),
    )(tile_expert, nact.reshape(1), xs, Wg, Wu, Wd)

    w = expert_weights * jnp.equal(top_k, k).astype(expert_weights.dtype)
    yk = out_s[pos].reshape(n, k, h_dim)
    return (yk * w[..., None]).sum(axis=1)

# --- scband reference (transcript-rebuilt; emitter-appended) ---
"""Pipeline reference for scband-unfused-mo-eexperts-89189290868941 (READ-ONLY COPY).

The authoritative reference and input builder live on the scoring server;
editing this copy changes nothing except your own understanding.
"""

import jax, jax.numpy as jnp
import numpy as np

E = 8
TOP_K = 2
H = 768
I = 3072
N = 2048


def setup_inputs(seed: int = 0) -> dict:
    key = jax.random.key(seed)
    ks = jax.random.split(key, 6)
    x = jax.random.normal(ks[0], (N, H), dtype=jnp.float32)
    expert_weights = jax.random.uniform(ks[1], (N, TOP_K), dtype=jnp.float32)
    expert_indices = jax.random.randint(ks[2], (N, TOP_K), 0, E).astype(jnp.int32)
    Wg = jax.random.normal(ks[3], (E, I, H), dtype=jnp.float32) * 0.02
    Wu = jax.random.normal(ks[4], (E, I, H), dtype=jnp.float32) * 0.02
    Wd = jax.random.normal(ks[5], (E, H, I), dtype=jnp.float32) * 0.02
    return {"x": x, "expert_weights": expert_weights, "expert_indices": expert_indices,
            "top_k": TOP_K, "Wg": Wg, "Wu": Wu, "Wd": Wd}


def _grouping(expert_indices, top_k):
    # Concrete (numpy) routing metadata: indices are constants w.r.t. the math.
    flat = np.asarray(expert_indices).reshape(-1).astype(np.int64)
    order = np.argsort(flat, kind="stable")
    inv = np.argsort(order, kind="stable")
    counts = np.bincount(flat, minlength=E)
    offsets = np.concatenate([np.zeros(1, dtype=np.int64), np.cumsum(counts)])
    n = flat.shape[0] // top_k
    tok = np.repeat(np.arange(n), top_k)[order]  # source token of each sorted slot
    return order, inv, offsets, tok


def reference(x, expert_weights, expert_indices, top_k, Wg, Wu, Wd):
    # Equivalent of UnfusedMoEExperts.forward with SwitchLinear as per-expert
    # bias-free linear: y = x @ W[e].T (gather_mm). Each (token, slot) pair is
    # processed by its assigned expert via fixed-shape masked selection (same
    # math as both sorted/unsorted paths of the module).
    n = x.shape[0]
    k = expert_indices.shape[1]
    flat = expert_indices.reshape(-1)
    xs = jnp.repeat(x, k, axis=0)  # [N*top_k, H], slot i belongs to token i // k
    y = jnp.zeros((n * k, x.shape[1]), dtype=x.dtype)
    for e in range(E):
        gate = xs @ Wg[e].T
        up = xs @ Wu[e].T
        h = jax.nn.silu(gate) * up
        out = h @ Wd[e].T
        y = jnp.where((flat == e)[:, None], out, y)
    y = y.reshape(n, k, -1)
    w = expert_weights * jnp.equal(top_k, k).astype(expert_weights.dtype)
    return (y * w[..., None]).sum(axis=-2)

if __name__ == "__main__":
    import jax
    _d = setup_inputs()
    print(jax.jit(kernel)(*tuple(_d.values())))

</pallas_src>

<mosaic_0001>
module attributes {stable_mosaic.version = 14 : i64} {
  func.func @_ffn_kernel(%arg0: i32, %arg1: memref<23xi32, #tpu.memory_space<smem>>, %arg2: memref<1xi32, #tpu.memory_space<smem>>, %arg3: memref<256x768xf32, #tpu.memory_space<vmem>>, %arg4: memref<1x3072x768xf32, #tpu.memory_space<vmem>>, %arg5: memref<1x3072x768xf32, #tpu.memory_space<vmem>>, %arg6: memref<1x768x3072xf32, #tpu.memory_space<vmem>>, %arg7: memref<256x768xf32, #tpu.memory_space<vmem>>) attributes {dimension_semantics = [#tpu.dimension_semantics<arbitrary>], iteration_bounds = array<i64: 23>, scalar_prefetch = 2 : i64, scratch_operands = 0 : i64, tpu.core_type = #tpu.core_type<tc>, window_params = [{transform_indices = @transform_0, window_bounds = array<i64: 256, 768>}, {transform_indices = @transform_1, window_bounds = array<i64: 1, 3072, 768>}, {transform_indices = @transform_2, window_bounds = array<i64: 1, 3072, 768>}, {transform_indices = @transform_3, window_bounds = array<i64: 1, 768, 3072>}, {transform_indices = @transform_4, window_bounds = array<i64: 256, 768>}]} {
    %get3A = arith.constant 0 : index
    %get3A_0 = memref.load %arg2[%get3A] : memref<1xi32, #tpu.memory_space<smem>>
    %lt3A = arith.cmpi slt, %arg0, %get3A_0 : i32
    %convert_element_type3A = arith.extui %lt3A : i1 to i32
    %cond3A = arith.constant 0 : i32
    %cond3A_1 = arith.cmpi ne, %convert_element_type3A, %cond3A : i32
    scf.if %cond3A_1 {
      %get3A_7 = arith.constant 0 : index
      %get3A_8 = arith.constant 0 : index
      %get3A_9 = vector.load %arg3[%get3A_7, %get3A_8] : memref<256x768xf32, #tpu.memory_space<vmem>>, vector<256x768xf32>
      %get3A_10 = arith.constant 0 : index
      %get3A_11 = arith.constant 0 : index
      %get3A_12 = arith.constant 0 : index
      %get3A_13 = vector.load %arg4[%get3A_10, %get3A_11, %get3A_12] : memref<1x3072x768xf32, #tpu.memory_space<vmem>>, vector<1x3072x768xf32>
      %get3A_14 = vector.shape_cast %get3A_13 : vector<1x3072x768xf32> to vector<3072x768xf32>
      %dot_general3A = arith.constant dense<0.000000e+00> : vector<256x3072xf32>
      %dot_general3A_15 = tpu.matmul %get3A_9, %get3A_14, %dot_general3A {dimension_numbers = #tpu.dot_dimension_numbers<[1], [1], [0], [0], [0, 0, 1, 0], [], []>, transpose_lhs_hint = false} : vector<256x768xf32>, vector<3072x768xf32>, vector<256x3072xf32> -> vector<256x3072xf32>
      %get3A_16 = arith.constant 0 : index
      %get3A_17 = arith.constant 0 : index
      %get3A_18 = arith.constant 0 : index
      %get3A_19 = vector.load %arg5[%get3A_16, %get3A_17, %get3A_18] : memref<1x3072x768xf32, #tpu.memory_space<vmem>>, vector<1x3072x768xf32>
      %get3A_20 = vector.shape_cast %get3A_19 : vector<1x3072x768xf32> to vector<3072x768xf32>
      %dot_general3A_21 = arith.constant dense<0.000000e+00> : vector<256x3072xf32>
      %dot_general3A_22 = tpu.matmul %get3A_9, %get3A_20, %dot_general3A_21 {dimension_numbers = #tpu.dot_dimension_numbers<[1], [1], [0], [0], [0, 0, 1, 0], [], []>, transpose_lhs_hint = false} : vector<256x768xf32>, vector<3072x768xf32>, vector<256x3072xf32> -> vector<256x3072xf32>
      %logistic3A = arith.negf %dot_general3A_15 : vector<256x3072xf32>
      %logistic3A_23 = math.exp %logistic3A : vector<256x3072xf32>
      %logistic3A_24 = arith.constant 1.000000e+00 : f32
      %logistic3A_25 = vector.broadcast %logistic3A_24 : f32 to vector<256x3072xf32>
      %logistic3A_26 = arith.addf %logistic3A_25, %logistic3A_23 : vector<256x3072xf32>
      %logistic3A_27 = arith.divf %logistic3A_25, %logistic3A_26 : vector<256x3072xf32>
      %mul3A = arith.mulf %dot_general3A_15, %logistic3A_27 : vector<256x3072xf32>
      %mul3A_28 = arith.mulf %mul3A, %dot_general3A_22 : vector<256x3072xf32>
      %get3A_29 = arith.constant 0 : index
      %get3A_30 = arith.constant 0 : index
      %get3A_31 = arith.constant 0 : index
      %get3A_32 = vector.load %arg6[%get3A_29, %get3A_30, %get3A_31] : memref<1x768x3072xf32, #tpu.memory_space<vmem>>, vector<1x768x3072xf32>
      %get3A_33 = vector.shape_cast %get3A_32 : vector<1x768x3072xf32> to vector<768x3072xf32>
      %dot_general3A_34 = arith.constant dense<0.000000e+00> : vector<256x768xf32>
      %dot_general3A_35 = tpu.matmul %mul3A_28, %get3A_33, %dot_general3A_34 {dimension_numbers = #tpu.dot_dimension_numbers<[1], [1], [0], [0], [0, 0, 1, 0], [], []>, transpose_lhs_hint = false} : vector<256x3072xf32>, vector<768x3072xf32>, vector<256x768xf32> -> vector<256x768xf32>
      %swap3A = arith.constant 0 : index
      %swap3A_36 = arith.constant 0 : index
      %swap3A_37 = vector.load %arg7[%swap3A, %swap3A_36] : memref<256x768xf32, #tpu.memory_space<vmem>>, vector<256x768xf32>
      tpu.vector_store %arg7[%swap3A, %swap3A_36], %dot_general3A_35 {strides = array<i32>} : memref<256x768xf32, #tpu.memory_space<vmem>>, vector<256x768xf32>,
    } else {
    }
    %get3A_2 = arith.constant 0 : index
    %get3A_3 = memref.load %arg2[%get3A_2] : memref<1xi32, #tpu.memory_space<smem>>
    %ge3A = arith.cmpi sge, %arg0, %get3A_3 : i32
    %convert_element_type3A_4 = arith.extui %ge3A : i1 to i32
    %cond3A_5 = arith.constant 0 : i32
    %cond3A_6 = arith.cmpi ne, %convert_element_type3A_4, %cond3A_5 : i32
    scf.if %cond3A_6 {
      %broadcast_in_dim3A = arith.constant 0.000000e+00 : f32
      %broadcast_in_dim3A_7 = vector.broadcast %broadcast_in_dim3A : f32 to vector<256x768xf32>
      %swap3A = arith.constant 0 : index
      %swap3A_8 = arith.constant 0 : index
      %swap3A_9 = vector.load %arg7[%swap3A, %swap3A_8] : memref<256x768xf32, #tpu.memory_space<vmem>>, vector<256x768xf32>
      tpu.vector_store %arg7[%swap3A, %swap3A_8], %broadcast_in_dim3A_7 {strides = array<i32>} : memref<256x768xf32, #tpu.memory_space<vmem>>, vector<256x768xf32>,
    } else {
    }
    return
  }
  func.func @transform_0(%arg0: i32, %arg1: memref<23xi32, #tpu.memory_space<smem>>, %arg2: memref<1xi32, #tpu.memory_space<smem>>) -> (i32, i32) {
    %c0_i32 = arith.constant 0 : i32
    %c0_i32_0 = arith.constant 0 : i32
    return %arg0, %c0_i32 : i32, i32
  }
  func.func @transform_1(%arg0: i32, %arg1: memref<23xi32, #tpu.memory_space<smem>>, %arg2: memref<1xi32, #tpu.memory_space<smem>>) -> (i32, i32, i32) {
    %get3A = arith.index_cast %arg0 : i32 to index
    %get3A_0 = memref.load %arg1[%get3A] : memref<23xi32, #tpu.memory_space<smem>>
    %c0_i32 = arith.constant 0 : i32
    %c0_i32_1 = arith.constant 0 : i32
    %c0_i32_2 = arith.constant 0 : i32
    return %get3A_0, %c0_i32, %c0_i32_1 : i32, i32, i32
  }
  func.func @transform_2(%arg0: i32, %arg1: memref<23xi32, #tpu.memory_space<smem>>, %arg2: memref<1xi32, #tpu.memory_space<smem>>) -> (i32, i32, i32) {
    %get3A = arith.index_cast %arg0 : i32 to index
    %get3A_0 = memref.load %arg1[%get3A] : memref<23xi32, #tpu.memory_space<smem>>
    %c0_i32 = arith.constant 0 : i32
    %c0_i32_1 = arith.constant 0 : i32
    %c0_i32_2 = arith.constant 0 : i32
    return %get3A_0, %c0_i32, %c0_i32_1 : i32, i32, i32
  }
  func.func @transform_3(%arg0: i32, %arg1: memref<23xi32, #tpu.memory_space<smem>>, %arg2: memref<1xi32, #tpu.memory_space<smem>>) -> (i32, i32, i32) {
    %get3A = arith.index_cast %arg0 : i32 to index
    %get3A_0 = memref.load %arg1[%get3A] : memref<23xi32, #tpu.memory_space<smem>>
    %c0_i32 = arith.constant 0 : i32
    %c0_i32_1 = arith.constant 0 : i32
    %c0_i32_2 = arith.constant 0 : i32
    return %get3A_0, %c0_i32, %c0_i32_1 : i32, i32, i32
  }
  func.func @transform_4(%arg0: i32, %arg1: memref<23xi32, #tpu.memory_space<smem>>, %arg2: memref<1xi32, #tpu.memory_space<smem>>) -> (i32, i32) {
    %c0_i32 = arith.constant 0 : i32
    %c0_i32_0 = arith.constant 0 : i32
    return %arg0, %c0_i32 : i32, i32
  }
}

</mosaic_0001>

<sc_bundles>
// kernel: gather_offload_async_start
scs
__scs_entry_jumppad:
0x0: {  	(pc) =	sbr.rel $0x88, $3  }
0x1: {  	(tag) =	ssettag $0x0;
	lr =	simm.s32 $0x1  }
0x2: {  	[smem:$0x3F9A] =	sst lr;
	_ =	strace $0xD0000000  }
0x3: {  	_ = 	snop  }
0x4: {  	_ = 	snop  }
0x5: {  	_ = 	snop  }
0x6: {  	_ = 	snop  }
0x7: {  	_ = 	snop  }
__scs_overlays_trampoline_lowered:
0x8: {  	[smem:$0x3FA9] =	sst s0  }
0x9: {  	[smem:$0x3FAA] =	sst s1  }
0xa: {  	[smem:$0x3FAB] =	sst s2  }
0xb: {  	[smem:$0x3FAC] =	sst s3  }
0xc: {  	[smem:$0x3FAD] =	sst s4  }
0xd: {  	[smem:$0x3FAE] =	sst s5  }
0xe: {  	[smem:$0x3FAF] =	sst s6  }
0xf: {  	[smem:$0x3FB0] =	sst s7  }
0x10: {  	[smem:$0x3FB1] =	sst s8  }
0x11: {  	[smem:$0x3FB2] =	sst s9;
	s0 =	simm.s32 @!p0 $0x0  }
0x12: {  	s1 =	sld [smem:$0x3F98];
	s0 =	simm.s32 @p0 $0x1  }
0x13: {  	[smem:$0x3FB3] =	sst s0;
	s0 =	simm.s32 @!p1 $0x0  }
0x14: {  	s2 =	sld [smem:$0x3F97];
	s0 =	simm.s32 @p1 $0x1  }
0x15: {  	[smem:$0x3FB4] =	sst s0;
	s0 =	simm.s32 @!p2 $0x0  }
0x16: {  	s3 =	sld [smem:$0x3FDB];
	s0 =	simm.s32 @p2 $0x1  }
0x17: {  	s4 =	simm.s32 $0x1BF5;
	[smem:$0x3FB6] =	sst s0  }
0x18: {  	s0 =	sld [smem:$0x3F99];
	_ =	swait.ge [sflag:s4], $0x0  }
0x19: {  	s7 =	sld [smem:$0x3F9A]  }
0x1a: {  	s8 =	sadd.s32 $0xFFFFE003, lr  }
0x1b: {  	s9 =	sadd.s32 $0xFFFFFEF7, lr;
	s5 =	simm.s32 $0xFFFFFFFF;
	p2 =	slt.u32 s8, $0xFFFFF086  }
0x1c: {  	p1 =	slt.u32 s9, $0xF7A;
	s5 =	simm.s32 @!p2 $0x0  }
0x1d: {  	s5 =	simm.s32 @p1 $0x1;
	p0 =	seq.s32 s7, s2  }
0x1e: {  	s7 =	smul.u32 @!p0 $0xF7A, s2;
	p2 =	seq.s32 @!p0 s5, $0x0  }
0x1f: {  	s9 =	smul.u32 $0xF7A, s1;
	s8 =	simm.s32 @!p0 $0x1BF5;
	p2 =	por !p2, p0  }
0x20: {  	[sflag:s8] =	ssyncset.s32 @!p0 $0xFFFFF086;
	s6 =	sadd.s32 @!p0 s3, s7;
	s7 =	simm.s32 @!p0 $0x108  }
0x21: {  	s3 =	sadd.s32 s3, s9;
	s6 =	sadd.s32 @!p0 $0x88, s6;
	s7 =	simm.s32 @p2 $0x1082  }
0x22: {  	[simem:s7], [sflag:s8] =	dma.local @!p0 [hbm:s6], $0xF7A  }
0x23: {  	s9 =	sor.u32 $0xD0000000, s2;
	s6 =	simm.s32 $0x108;
	_ =	swait.ge @!p0 [sflag:s8], $0x0  }
0x24: {  	s3 =	sadd.s32 $0x88, s3;
	s6 =	simm.s32 @!p1 $0x1082;
	[sflag:s4] =	ssyncset.s32 $0xFFFFF086  }
0x25: {  	[simem:s6], [sflag:s4] =	dma.local [hbm:s3], $0xF7A  }
0x26: {  	[smem:$0x3F9A] =	sst s1;
	(tag) =	ssettag s2;
	_ =	strace s9  }
0x27: {  	s1 =	sld [smem:$0x3FAA]  }
0x28: {  	s2 =	sld [smem:$0x3FAB]  }
0x29: {  	s4 =	sld [smem:$0x3FAD]  }
0x2a: {  	p0 =	seq.s32 s5, $0x0;
	s5 =	sld [smem:$0x3FAE]  }
0x2b: {  	s6 =	sld [smem:$0x3FAF]  }
0x2c: {  	s7 =	sld [smem:$0x3FB0]  }
0x2d: {  	s3 =	simm.s32 $0x108;
	s8 =	sld [smem:$0x3FB1]  }
0x2e: {  	s3 =	simm.s32 @!p0 $0x1082;
	s9 =	sld [smem:$0x3FB2]  }
0x2f: {  	lr =	sadd.s32 s0, s3;
	s0 =	sld [smem:$0x3FA9]  }
0x30: {  	s3 =	sld [smem:$0x3FAC]  }
0x31: {  	[smem:$0x3FB5] =	sst s10  }
0x32: {  	s10 =	sld [smem:$0x3FB3];
	_ =	sdelay $0x3  }
0x33: {  	p0 =	seq.s32 s10, $0x1;
	s10 =	sld [smem:$0x3FB5];
	_ =	sdelay $0x3  }
0x34: {  	[smem:$0x3FB5] =	sst s10  }
0x35: {  	s10 =	sld [smem:$0x3FB4];
	_ =	sdelay $0x3  }
0x36: {  	p1 =	seq.s32 s10, $0x1;
	s10 =	sld [smem:$0x3FB5];
	_ =	sdelay $0x3  }
0x37: {  	[smem:$0x3FB5] =	sst s10  }
0x38: {  	s10 =	sld [smem:$0x3FB6]  }
0x39: {  	_ = 	snop;
	(pc) =	sbr.ind lr, $3  }
0x3a: {  	_ = 	snop  }
0x3b: {  	_ = 	snop  }
0x3c: {  	p2 =	seq.s32 s10, $0x1;
	s10 =	sld [smem:$0x3FB5]  }
0x3d: {  	_ =	shalt  }
0x3e: {  	_ =	shalt  }
0x3f: {  	_ =	shalt  }
0x40: {  	_ =	shalt  }
0x41: {  	_ =	shalt  }
0x42: {  	_ =	shalt  }
0x43: {  	_ =	shalt  }
0x44: {  	_ =	shalt  }
0x45: {  	_ =	shalt  }
0x46: {  	_ =	shalt  }
0x47: {  	_ =	shalt  }
0x48: {  	_ =	shalt  }
0x49: {  	_ =	shalt  }
0x4a: {  	_ =	shalt  }
0x4b: {  	_ =	shalt  }
0x4c: {  	_ =	shalt  }
0x4d: {  	_ =	shalt  }
0x4e: {  	_ =	shalt  }
0x4f: {  	_ =	shalt  }
0x50: {  	_ =	shalt  }
0x51: {  	_ =	shalt  }
0x52: {  	_ =	shalt  }
0x53: {  	_ =	shalt  }
0x54: {  	_ =	shalt  }
0x55: {  	_ =	shalt  }
0x56: {  	_ =	shalt  }
0x57: {  	_ =	shalt  }
0x58: {  	_ =	shalt  }
0x59: {  	_ =	shalt  }
0x5a: {  	_ =	shalt  }
0x5b: {  	_ =	shalt  }
0x5c: {  	_ =	shalt  }
0x5d: {  	_ =	shalt  }
0x5e: {  	_ =	shalt  }
0x5f: {  	_ =	shalt  }
0x60: {  	_ =	shalt  }
0x61: {  	_ =	shalt  }
0x62: {  	_ =	shalt  }
0x63: {  	_ =	shalt  }
0x64: {  	_ =	shalt  }
0x65: {  	_ =	shalt  }
0x66: {  	_ =	shalt  }
0x67: {  	_ =	shalt  }
0x68: {  	_ =	shalt  }
0x69: {  	_ =	shalt  }
0x6a: {  	_ =	shalt  }
0x6b: {  	_ =	shalt  }
0x6c: {  	_ =	shalt  }
0x6d: {  	_ =	shalt  }
0x6e: {  	_ =	shalt  }
0x6f: {  	_ =	shalt  }
0x70: {  	_ =	shalt  }
0x71: {  	_ =	shalt  }
0x72: {  	_ =	shalt  }
0x73: {  	_ =	shalt  }
0x74: {  	_ =	shalt  }
0x75: {  	_ =	shalt  }
0x76: {  	_ =	shalt  }
0x77: {  	_ =	shalt  }
0x78: {  	_ =	shalt  }
0x79: {  	_ =	shalt  }
0x7a: {  	_ =	shalt  }
0x7b: {  	_ =	shalt  }
0x7c: {  	_ =	shalt  }
0x7d: {  	_ =	shalt  }
0x7e: {  	_ =	shalt  }
0x7f: {  	_ =	shalt  }
0x80: {  	_ =	shalt  }
0x81: {  	_ =	shalt  }
0x82: {  	_ =	shalt  }
0x83: {  	_ =	shalt  }
0x84: {  	_ =	shalt  }
0x85: {  	_ =	shalt  }
0x86: {  	_ =	shalt  }
0x87: {  	_ =	shalt  }
.Lfunc_end0:
.L_simem_size_0:
called_computation_lowered:
.L_overlay_start_0:
0x88: {  	s2 =	sld [smem:$0x3FD9]  }
0x89: {  	s3 =	sld [smem:$0x3FFE];
	_ =	sdelay $0x1  }
0x8a: {  	s1 =	srdreg.scid  }
0x8b: {  	s0 =	sand.u32 $0x1, s1  }
0x8c: {  	s17 =	sshll.u32 s0, $0xA;
	s2 =	sadd.s32 s3, s2  }
0x8d: {  	s2 =	sadd.s32 s2, s17  }
0x8e: {  	[smem:$0x3FC1] =	sst s2  }
0x8f: {  	_ = 	snop  }
0x90: {  	s2 =	sld [smem:$0x3FD0];
	(tm) =	ssettm $0x1  }
0x91: {  	s18 =	sld [smem:$0x3FFB];
	_ =	sdelay $0x3  }
0x92: {  	_ =	strace s18  }
0x93: {  	s3 =	sld [smem:$0x3FFC];
	_ =	sdelay $0x3  }
0x94: {  	_ =	strace s3  }
0x95: {  	s3 =	sld [smem:$0x3FFD];
	_ =	sdelay $0x3  }
0x96: {  	_ =	strace s3  }
0x97: {  	_ =	strace $0x8FFFFFFF  }
0x98: {  	s19 =	sld [smem:$0x3FDB];
	_ =	sdelay $0x1  }
0x99: {  	s4 =	simm.s32 $_scs_section_size  }
0x9a: {  	s5 =	simm.s32 $_size__tile_overlayer_lowered;
	s6 =	simm.s32 $_tile_overlayer_lowered  }
0x9b: {  	s22 =	simm.s32 $0x1BFF;
	s21 =	sshll.u32 s6, $0x1;
	s3 =	sadd.s32 s4, s19  }
0x9c: {  	s7 =	simm.s32 $0x0;
	s20 =	sshll.u32 s5, $0x1;
	s5 =	sadd.s32 s21, s3  }
0x9d: {  	[timem:s7], [sflag:s22] =	dma.local [hbm:s5], s20  }
0x9e: {  	_ =	swait.ge [sflag:s22], s20  }
0x9f: {  	s4 =	ssub.s32 $0x0, s20;
	[sflag:s22] =	ssyncset.done $0x0  }
0xa0: {  	[sflag:s22] =	ssyncadd.s32 s4;
	_ =	sdelay $0x1  }
0xa1: {  	s23 =	simm.s32 $0x1B8B  }
0xa2: {  	_ =	swait.ge [sflag:s23], $0x1  }
0xa3: {  	[sflag:s23] =	ssyncset.done $0x0  }
0xa4: {  	s25 =	simm.s32 $0x1B8E;
	s24 =	sld [smem:$0x3FFE];
	[sflag:s23] =	ssyncadd.s32 $0xFFFFFFFF  }
0xa5: {  	s26 =	simm.s32 $execute0_lowered;
	[smem:$0x3FD2] =	sst s25  }
0xa6: {  	s5 =	sshll.u32 s26, $0x1;
	_ =	strace $0x80000046;
	[dreg:$0x1] =	wrdreg $0xFFFFFFFF  }
0xa7: {  	s28 =	simm.s32 $_size_execute0_lowered;
	s3 =	sadd.s32 s3, s5;
	[dreg:$0x0] =	wrdreg $0x0  }
0xa8: {  	s5 =	sshll.u32 s28, $0x1;
	[dreg:$0x2] =	wrdreg s3  }
0xa9: {  	[dreg:$0x3] =	wrdreg s5  }
0xaa: {  	[dreg:$0x4] =	wrdreg $0xC0  }
0xab: {  	_ =	task [dreg:s7], $0x5FFFF  }
0xac: {  	[dreg:$0x1] =	wrdreg $0xFFFFFFFF  }
0xad: {  	[dreg:$0x0] =	wrdreg $0x60  }
0xae: {  	[dreg:$0x2] =	wrdreg s24  }
0xaf: {  	[dreg:$0x3] =	wrdreg s2  }
0xb0: {  	[dreg:$0x4] =	wrdreg $0x9  }
0xb1: {  	_ =	task.clear_ibuf [dreg:s7], $0x5FFFF;
	_ =	strace $0x90000046  }
0xb2: {  	s29 =	simm.s32 $0x9;
	_ =	strace $0x80000048  }
0xb3: {  	_ =	swait.ge [sflag:s29], $0x1  }
0xb4: {  	[sflag:s29] =	ssyncadd.s32 $0xFFFFFFFF  }
0xb5: {  	_ =	strace $0x90000048  }
0xb6: {  	_ =	sfence  }
0xb7: {  	s30 =	sld [smem:$0x0];
	_ =	sdelay $0x2  }
0xb8: {  	s31 =	sshll.u32 s1, $0xD;
	s1 =	sshrl.u32 s1, $0x2  }
0xb9: {  	s3 =	sand.u32 $0x4000, s31;
	s1 =	sadd.s32 s1, s30  }
0xba: {  	s0 =	sor.u32 s3, s0;
	s1 =	sshll.u32 s1, $0x11  }
0xbb: {  	s0 =	sor.u32 s1, s0  }
0xbc: {  	s0 =	sadd.s32 $0x8F2B, s0  }
0xbd: {  	[sflag:s0] =	ssyncadd.remote.s32 $0x1  }
0xbe: {  	_ =	sfence.sel $0xFFFF  }
0xbf: {  	[dreg:$0x0] =	wrdreg $0xFFFFFFFF;
	(pc) =	sbr.abs _section_cstart, $3  }
0xc0: {  	[dreg:$0x1] =	wrdreg $0xFFFFFFFF  }
0xc1: {  	_ =	task.clear_ibuf [dreg:s7], $0x2FFFF;
	_ =	strace $0x9FFFFFFF  }
0xc2: {  	(tm) =	ssettm $0x7FFFFFFF  }
0xc3: {  	_ =	shalt  }
tec
execute0_lowered:
.L_overlay_start_1:
0x0: {  	(tag) =	ssettag $0x1  }
0x1: {  	s2 =	rddreg [dreg:$0x0]  }
0x2: {  	s3 =	rddreg [dreg:$0x1]  }
0x3: {  	s0 =	rddreg [dreg:$0x2];
	s1 =	srdreg.scid;
	_ =	strace $0x80000047  }
0x4: {  	s4 =	simm.s32 $0x1;
	s9 =	simm.s32 $0x3;
	s5 =	sshll.u32 s1, $0x4  }
.Ltmp0:
0x5: {  	s1 =	stileid.u32;
	s5 =	sand.u32 $0x10, s5;
	(pc) =	sbr.rel .LBB2_1-.Ltmp0, $4  }
0x6: {  	s11 =	simm.s32 $0x0;
	p0 =	por $0x0, $0x0;
	s6 =	sor.u32 s1, s5  }
0x7: {  	[sflag:s4] =	ssyncpa.u1 $0x0;
	s5 =	simm.s32 $0x2;
	s6 =	sshll.u32 s6, $0x7  }
0x8: {  	s7 =	sadd.s32 $0x8A400, s2;
	[sflag:s5] =	ssyncpa.u1 $0x0;
	s8 =	sadd.s32 $0x80, s6  }
0x9: {  	vm0 =	vmmov $0xff;
	vm1 =	vcmask $0x3F20;
	[sflag:s9] =	ssyncpa.u1 $0x0;
	s10 =	smov.u32 s6;
	s9 =	simm.s32 $0x0  }
.LBB2_9:
0xa: {  	p1 =	slt.u32 s9, $0x2;
	s11 =	sadd.s32 $0x40, s10  }
0xb: {  	s13 =	smov.u32 s6;
	s9 =	sadd.s32 $0x1, s9;
	p2 =	slt.s32 s11, s8  }
0xc: {  	s13 =	smov.u32 @p2 s11;
	p2 =	sne.s32 s9, $0x4  }
.Ltmp1:
0xd: {  	_ = 	snop;
	(pc) =	sbr.rel @!p2 .LBB2_10-.Ltmp1, $4  }
0xe: {  	s12 =	simm.s32 @!p1 $0x3  }
0xf: {  	_ =	swait.ge @!p1 [sflag:s12], $0xC000  }
0x10: {  	p0 =	por !p0, !p0;
	[sflag:s12] =	ssyncset.done @!p1 $0x0  }
0x11: {  	s11 =	smov.u32 s10;
	s10 =	smov.u32 s13;
	[sflag:s12] =	ssyncadd.s32 @!p1 $0xFFFF4000  }
.LBB2_1:
0x12: {  	p1 =	sgt.u32 s9, $0x1  }
0x13: {  	s12 =	sshll.u32 @!p1 s9, $0x6;
	s13 =	sshrl.u32 @!p1 s10, $0x3  }
0x14: {  	s14 =	sand.u32 @!p1 $0x7, s10;
	s12 =	sxor.u32 @!p1 $0x40, s12;
	s13 =	sadd.s32 @!p1 s3, s13  }
0x15: {  	[tilespmem:s12], [sflag:$0x2] =	stream.linear.gather @!p1 [hbm4b:s13+s14], $0x40, $0x38;
	[tilespmem:$0x18080] =	vst v63  }
0x16: {  	p1 =	seq.s32 s9, $0x0  }
0x17: {  	p2 =	seq.s32 @!p1 s9, $0x3  }
0x18: {  	p1 =	por p1, p2  }
.Ltmp2:
0x19: {  	_ = 	snop;
	(pc) =	sbr.rel @p1 .LBB2_9-.Ltmp2, $1  }
0x1a: {  	_ =	sdelay $0x3  }
0x1b: {  	s12 =	simm.s32 $0x1  }
0x1c: {  	s12 =	simm.s32 @!p0 $0x0  }
0x1d: {  	s12 =	smul.u32 $0x30000, s12;
	_ =	sdelay $0x1  }
0x1e: {  	_ =	swait.ge [sflag:s5], $0x40;
	s13 =	sand.u32 $0x1, s9;
	s12 =	sshrl.u32 s12, $0x2  }
0x1f: {  	s14 =	simm.s32 $0x0;
	[sflag:s5] =	ssyncset.done $0x0;
	s12 =	sor.u32 $0x80, s12  }
0x20: {  	s13 =	sshll.u32 s13, $0x6;
	[sflag:s5] =	ssyncadd.s32 $0xFFFFFFC0;
	s15 =	smov.u32 s12  }
.LBB2_3:
0x21: {  	s16 =	sshll.u32 s14, $0x4  }
0x22: {  	s16 =	sand.u32 $0x3FFFFFF0, s16  }
0x23: {  	s16 =	sadd.s32 s16, s13  }
0x24: {  	v0 =	vld.msk [tilespmem:s16+$0x0 ss:$0x1], $0xffff;
	_ =	sdelay $0x4  }
0x25: {  	vm2 =	vgt.s32 v0, $0x0  }
0x26: {  	v0 =	vnsel vm2, $0x0, v0  }
0x27: {  	v0 =	vmin.u32 v0, $0x16FF  }
0x28: {  	v1 =	vshrl.u32 v0, $0x3  }
0x29: {  	v0 =	vshll.u32 v0, $0x7;
	v1 =	vmul.u32 $0x1800, v1  }
0x2a: {  	v0 =	vand.u32 $0x380, v0  }
0x2b: {  	v0 =	vor.u32 v0, v1  }
0x2c: {  	v0 =	vshrl.u32 v0, $0x3;
	_ =	sdelay $0x3  }
0x2d: {  	s17 =	sadd.s32 $0x0, s15  }
0x2e: {  	[tilespmem:s17], [sflag:$0x1] =	stream.indirect_vreg.gather [hbm:s7], $0x80, v0, vm0, $0x38;
	[tilespmem:$0x18080] =	vst v63  }
0x2f: {  	s16 =	simm.s32 $0x1000;
	v1 =	vadd.s32 $0x80, v0;
	s17 =	sadd.s32 $0x1800, s17  }
.LBB2_4:
0x30: {  	[tilespmem:s17], [sflag:$0x1] =	stream.indirect_vreg.gather [hbm:s7], $0x80, v0, vm1, $0x38;
	[tilespmem:$0x18080] =	vst v63  }
0x31: {  	v0 =	vmov v1;
	s17 =	smov.u32 s16;
	p1 =	sne.s32 s16, $0x5000  }
.Ltmp3:
0x32: {  	s16 =	sadd.s32 $0x1000, s16;
	(pc) =	sbr.rel @p1 .LBB2_4-.Ltmp3, $4  }
0x33: {  	s17 =	sshra.s32 s17, $0x2  }
0x34: {  	s17 =	sadd.s32 s17, s15  }
0x35: {  	[tilespmem:s17], [sflag:$0x1] =	stream.indirect_vreg.gather [hbm:s7], $0x80, v1, vm0, $0x38;
	[tilespmem:$0x18080] =	vst v63  }
0x36: {  	s17 =	sadd.s32 $0x1800, s17;
	v1 =	vadd.s32 $0x80, v1  }
0x37: {  	s14 =	sadd.s32 $0x1, s14  }
0x38: {  	p1 =	sne.s32 s14, $0x4  }
.Ltmp4:
0x39: {  	_ = 	snop;
	(pc) =	sbr.rel @p1 .LBB2_3-.Ltmp4, $3  }
0x3a: {  	_ =	sdelay $0x1  }
0x3b: {  	[tilespmem:s17], [sflag:$0x1] =	stream.indirect_vreg.gather [hbm:s7], $0x80, v0, vm1, $0x38;
	[tilespmem:$0x18080] =	vst v63  }
0x3c: {  	s15 =	sadd.s32 $0x3000, s15  }
0x3d: {  	s13 =	sshrl.u32 s11, $0x3  }
0x3e: {  	s13 =	smul.u32 $0x300, s13  }
0x3f: {  	s31 =	sshll.u32 s11, $0x4  }
0x40: {  	_ =	swait.ge [sflag:s4], $0xC000;
	s11 =	sand.u32 $0x70, s31;
	s13 =	sadd.s32 s13, s2  }
0x41: {  	s14 =	sadd.s32 $0x1800, s12;
	[sflag:s4] =	ssyncset.done $0x0;
	s11 =	sadd.s32 s11, s13  }
0x42: {  	[sflag:s4] =	ssyncadd.s32 $0xFFFF4000;
	s13 =	simm.s32 $0x300;
	s15 =	sadd.s32 $0x0, s11  }
.LBB2_7:
0x43: {  	[hbm:s15] =	stream.linear.scatter [tilespmem:s12], [sflag:$0x3], $0x1800, $0x38;
	[tilespmem:$0x18080] =	vst v63  }
0x44: {  	s15 =	smov.u32 s13;
	s12 =	smov.u32 s14;
	p1 =	sne.s32 s13, $0x1500  }
.Ltmp5:
0x45: {  	s13 =	sadd.s32 $0x300, s13;
	(pc) =	sbr.rel @p1 .LBB2_7-.Ltmp5, $2  }
0x46: {  	_ =	sdelay $0x2  }
0x47: {  	s14 =	sadd.s32 $0x1800, s14;
	s15 =	sadd.s32 s15, s11  }
.Ltmp6:
0x48: {  	(pc) =	sbr.rel .LBB2_9-.Ltmp6, $2  }
0x49: {  	_ =	sdelay $0x2  }
0x4a: {  	[hbm:s15] =	stream.linear.scatter [tilespmem:s12], [sflag:$0x3], $0x1800, $0x38;
	[tilespmem:$0x18080] =	vst v63  }
.LBB2_10:
0x4b: {  	_ =	sfence.sel $0x180000  }
0x4c: {  	s2 =	simm.s32 $0x2;
	[bflag:$0x0] =	sbarrier.arrive $0xFFFF  }
0x4d: {  	s30 =	simm.s32 $0x3;
	[sflag:s2] =	ssyncpa.u1 $0x1  }
0x4e: {  	s31 =	simm.s32 $0x1;
	[sflag:s30] =	ssyncpa.u1 $0x1  }
0x4f: {  	[sflag:s31] =	ssyncpa.u1 $0x1  }
0x50: {  	p0 =	sne.s32 s1, $0x0;
	_ =	strace $0x90000047  }
0x51: {  	s0 =	sadd.s32 @!p0 $0x100000, s0;
	[bflag:$0x2] =	sbarrier.arrive $0xFFFF  }
0x52: {  	[sflag:s0] =	ssyncadd.tile.s32 @!p0 $0x1;
	_ =	shalt  }
.Lfunc_end2:
_tile_overlayer_lowered:
.L_overlay_start_2:
0x53: {  	(tag) =	ssettag $0x2  }
0x54: {  	s0 =	rddreg [dreg:$0x0];
	s2 =	stileid.u32  }
0x55: {  	s1 =	rddreg [dreg:$0x1];
	p0 =	sne.s32 s2, $0x0  }
0x56: {  	s3 =	rddreg [dreg:$0x2];
	[bflag:$0x3] =	sbarrier.arrive $0xFFFF;
	s2 =	simm.s32 @!p0 $0x1C01  }
0x57: {  	[timem:s3], [sflag:s2] =	dma.local @!p0 [hbm:s0], s1  }
0x58: {  	s0 =	simm.s32 @!p0 $0x1  }
0x59: {  	_ =	swait.ge @!p0 [sflag:s0], s1  }
0x5a: {  	s1 =	ssub.s32 @!p0 $0x0, s1;
	[sflag:s0] =	ssyncset.done @!p0 $0x0  }
0x5b: {  	[sflag:s0] =	ssyncadd.s32 @!p0 s1  }
0x5c: {  	[bflag:$0x3] =	sbarrier.arrive $0xFFFF  }
0x5d: {  	_ =	shalt  }

</sc_bundles>
